<compile_context>
chip_gen: v7x
topology: tpu7x:2x2x1
jax: 0.10.2.dev20260603
libtpu: 0.0.44.dev20260713+nightly
codegen_flags: <defaults>
</compile_context>

<pallas_src>
import functools

import jax
import jax.numpy as jnp
from jax import lax
from jax.experimental import pallas as pl
from jax.experimental.pallas import tpu as pltpu
from jax.experimental.pallas import tpu_sc as plsc

N_EDGES = 160000
D_FEAT = 256
N_NODES = 10000

NC = 2
NS = 16
CHUNK = 128
NCHUNKS = N_EDGES // CHUNK
CPT = 80
HALF = D_FEAT // NC
N_PAD = 10240
RPT = N_PAD // NS
LAST_RPT = N_NODES - (NS - 1) * RPT
NBUF = 2


def _sc_segment_sum(i, idx2, zrows):
    mesh = plsc.VectorSubcoreMesh(core_axis_name="c", subcore_axis_name="s")

    @functools.partial(
        pl.kernel,
        out_type=jax.ShapeDtypeStruct((N_NODES, D_FEAT), jnp.float32),
        mesh=mesh,
        scratch_types=[
            pltpu.VMEM((CPT, CHUNK), jnp.int32),
            [pltpu.VMEM((CHUNK, HALF), jnp.float32) for _ in range(NBUF)],
            pltpu.VMEM_SHARED((N_PAD, HALF), jnp.float32),
            [pltpu.SemaphoreType.DMA for _ in range(NBUF)],
            [pltpu.SemaphoreType.DMA for _ in range(NBUF)],
            pltpu.SemaphoreType.DMA,
        ],
    )
    def k(i_hbm, idx_hbm, z_hbm, out_hbm, idx_v, bufs, accum, gsems, ssems,
          zsem):
        cc = lax.axis_index("c")
        s = lax.axis_index("s")
        base = s * CPT
        n = jnp.minimum(CPT, NCHUNKS - base)

        def gslice(c):
            return i_hbm.at[pl.ds(c * CHUNK, CHUNK), pl.ds(cc * HALF, HALF)]

        idx_cp = pltpu.async_copy(idx_hbm.at[pl.ds(base, CPT)], idx_v, zsem)
        for b in range(NBUF):
            pltpu.async_copy(gslice(base + b), bufs[b], gsems[b])
        zcps = [
            pltpu.async_copy(z_hbm, accum.at[pl.ds(s * RPT + t * CHUNK, CHUNK)],
                             ssems[0])
            for t in range(RPT // CHUNK)
        ]
        for z in zcps:
            z.wait()
        idx_cp.wait()
        plsc.subcore_barrier()

        def body(j2, carry):
            for b in range(NBUF):
                j = j2 * NBUF + b
                c = base + j

                @pl.when(j < n)
                def _():
                    pltpu.make_async_copy(gslice(c), bufs[b], gsems[b]).wait()
                    pltpu.sync_copy(bufs[b], accum.at[idx_v.at[j]], add=True)

                    @pl.when(j + NBUF < n)
                    def _():
                        pltpu.async_copy(gslice(c + NBUF), bufs[b], gsems[b])

            return carry

        lax.fori_loop(0, CPT // NBUF, body, 0)
        plsc.subcore_barrier()

        @pl.when(s < NS - 1)
        def _full_copy():
            pltpu.sync_copy(
                accum.at[pl.ds(s * RPT, RPT)],
                out_hbm.at[pl.ds(s * RPT, RPT), pl.ds(cc * HALF, HALF)],
            )

        @pl.when(s == NS - 1)
        def _last_copy():
            pltpu.sync_copy(
                accum.at[pl.ds((NS - 1) * RPT, LAST_RPT)],
                out_hbm.at[pl.ds((NS - 1) * RPT, LAST_RPT),
                           pl.ds(cc * HALF, HALF)],
            )

    return k(i, idx2, zrows)


@jax.jit
def kernel(i, idx_i):
    pad = NS * CPT * CHUNK - N_EDGES
    idx2 = jnp.pad(idx_i, (0, pad)).reshape(NS * CPT, CHUNK)
    zrows = jnp.zeros((CHUNK, HALF), jnp.float32)
    return _sc_segment_sum(i, idx2, zrows)

# --- scband reference (transcript-rebuilt; emitter-appended) ---
"""Pipeline reference for scband-iplayer-47588237639747 (READ-ONLY COPY).

The authoritative reference and input builder live on the scoring server;
editing this copy changes nothing except your own understanding.
"""

import jax, jax.numpy as jnp
import numpy as np

N_EDGES = 160000
D_FEAT = 256
N_NODES = 10000

def setup_inputs(seed: int = 0) -> dict:
    key = jax.random.key(seed)
    k1, k2 = jax.random.split(key)
    i = jax.random.normal(k1, (N_EDGES, D_FEAT), dtype=jnp.float32)
    idx_i = jnp.sort(jax.random.randint(k2, (N_EDGES,), 0, N_NODES, dtype=jnp.int32))
    # guarantee max index is present so output size is deterministic
    idx_i = idx_i.at[-1].set(N_NODES - 1)
    return {"i": i, "idx_i": idx_i}

def reference(i, idx_i):
    # maxm = max(idx_i) + 1; scatter_add along dim 0
    maxm = N_NODES
    p = jnp.zeros((maxm, i.shape[1]), dtype=i.dtype).at[idx_i].add(i)
    return p

if __name__ == "__main__":
    import jax
    _d = setup_inputs()
    print(jax.jit(kernel)(*tuple(_d.values())))

</pallas_src>

<mosaic_0001>
#map = affine_map<(d0, d1) -> (0, 0)>
module attributes {stable_mosaic.version = 14 : i64} {
  func.func @k(%arg0: i32, %arg1: i32, %arg2: memref<160000x256xf32, #tpu.memory_space<hbm>>, %arg3: memref<1280x128xi32, #tpu.memory_space<hbm>>, %arg4: memref<128x128xf32, #tpu.memory_space<hbm>>, %arg5: memref<10000x256xf32, #tpu.memory_space<hbm>>, %arg6: memref<80x128xi32, #tpu.memory_space<vmem>>, %arg7: memref<128x128xf32, #tpu.memory_space<vmem>>, %arg8: memref<128x128xf32, #tpu.memory_space<vmem>>, %arg9: memref<10240x128xf32, #tpu.memory_space<vmem_shared>>, %arg10: memref<!tpu.dma_semaphore, #tpu.memory_space<semaphore_mem>>, %arg11: memref<!tpu.dma_semaphore, #tpu.memory_space<semaphore_mem>>, %arg12: memref<!tpu.dma_semaphore, #tpu.memory_space<semaphore_mem>>, %arg13: memref<!tpu.dma_semaphore, #tpu.memory_space<semaphore_mem>>, %arg14: memref<!tpu.dma_semaphore, #tpu.memory_space<semaphore_mem>>) attributes {dimension_semantics = [#tpu.dimension_semantics<core_parallel>, #tpu.dimension_semantics<subcore_parallel>], iteration_bounds = array<i64: 2, 16>, scalar_prefetch = 0 : i64, scratch_operands = 9 : i64, tpu.core_type = #tpu.core_type<sc_vector_subcore>, window_params = [{transform_indices = #map}, {transform_indices = #map}, {transform_indices = #map}, {transform_indices = #map}]} {
    %mul3A = arith.constant 80 : i32
    %mul3A_0 = arith.muli %arg1, %mul3A : i32
    %sub3A = arith.constant 1250 : i32
    %sub3A_1 = arith.subi %sub3A, %mul3A_0 : i32
    %min3A = arith.constant 80 : i32
    %min3A_2 = arith.minsi %min3A, %sub3A_1 : i32
    %dma_start3A = arith.constant 0 : i32
    %dma_start3A_3 = tpu.memref_slice %arg3[%mul3A_0, %dma_start3A] : memref<1280x128xi32, #tpu.memory_space<hbm>> -> memref<80x128xi32, #tpu.memory_space<hbm>>
    %dma_start3A_4 = arith.constant 0 : i32
    %dma_start3A_5 = tpu.memref_slice %arg3[%mul3A_0, %dma_start3A_4] : memref<1280x128xi32, #tpu.memory_space<hbm>> -> memref<80x128xi32, #tpu.memory_space<hbm>>
    tpu.enqueue_dma source(%dma_start3A_5 : memref<80x128xi32, #tpu.memory_space<hbm>>) target(%arg6 : memref<80x128xi32, #tpu.memory_space<vmem>>) target_semaphore(%arg14 : memref<!tpu.dma_semaphore, #tpu.memory_space<semaphore_mem>>)
    %add3A = arith.constant 0 : i32
    %add3A_6 = arith.addi %mul3A_0, %add3A : i32
    %mul3A_7 = arith.constant 128 : i32
    %mul3A_8 = arith.muli %add3A_6, %mul3A_7 : i32
    %mul3A_9 = arith.constant 128 : i32
    %mul3A_10 = arith.muli %arg0, %mul3A_9 : i32
    %dma_start3A_11 = tpu.memref_slice %arg2[%mul3A_8, %mul3A_10] : memref<160000x256xf32, #tpu.memory_space<hbm>> -> memref<128x128xf32, #tpu.memory_space<hbm>>
    %dma_start3A_12 = tpu.memref_slice %arg2[%mul3A_8, %mul3A_10] : memref<160000x256xf32, #tpu.memory_space<hbm>> -> memref<128x128xf32, #tpu.memory_space<hbm>>
    tpu.enqueue_dma source(%dma_start3A_12 : memref<128x128xf32, #tpu.memory_space<hbm>>) target(%arg7 : memref<128x128xf32, #tpu.memory_space<vmem>>) target_semaphore(%arg10 : memref<!tpu.dma_semaphore, #tpu.memory_space<semaphore_mem>>)
    %add3A_13 = arith.constant 1 : i32
    %add3A_14 = arith.addi %mul3A_0, %add3A_13 : i32
    %mul3A_15 = arith.constant 128 : i32
    %mul3A_16 = arith.muli %add3A_14, %mul3A_15 : i32
    %mul3A_17 = arith.constant 128 : i32
    %mul3A_18 = arith.muli %arg0, %mul3A_17 : i32
    %dma_start3A_19 = tpu.memref_slice %arg2[%mul3A_16, %mul3A_18] : memref<160000x256xf32, #tpu.memory_space<hbm>> -> memref<128x128xf32, #tpu.memory_space<hbm>>
    %dma_start3A_20 = tpu.memref_slice %arg2[%mul3A_16, %mul3A_18] : memref<160000x256xf32, #tpu.memory_space<hbm>> -> memref<128x128xf32, #tpu.memory_space<hbm>>
    tpu.enqueue_dma source(%dma_start3A_20 : memref<128x128xf32, #tpu.memory_space<hbm>>) target(%arg8 : memref<128x128xf32, #tpu.memory_space<vmem>>) target_semaphore(%arg11 : memref<!tpu.dma_semaphore, #tpu.memory_space<semaphore_mem>>)
    %mul3A_21 = arith.constant 640 : i32
    %mul3A_22 = arith.muli %arg1, %mul3A_21 : i32
    %add3A_23 = arith.constant 0 : i32
    %add3A_24 = arith.addi %mul3A_22, %add3A_23 : i32
    %dma_start3A_25 = arith.constant 0 : i32
    %dma_start3A_26 = tpu.memref_slice %arg9[%add3A_24, %dma_start3A_25] : memref<10240x128xf32, #tpu.memory_space<vmem_shared>> -> memref<128x128xf32, #tpu.memory_space<vmem_shared>>
    tpu.enqueue_dma source(%arg4 : memref<128x128xf32, #tpu.memory_space<hbm>>) target(%dma_start3A_26 : memref<128x128xf32, #tpu.memory_space<vmem_shared>>) target_semaphore(%arg12 : memref<!tpu.dma_semaphore, #tpu.memory_space<semaphore_mem>>)
    %mul3A_27 = arith.constant 640 : i32
    %mul3A_28 = arith.muli %arg1, %mul3A_27 : i32
    %add3A_29 = arith.constant 128 : i32
    %add3A_30 = arith.addi %mul3A_28, %add3A_29 : i32
    %dma_start3A_31 = arith.constant 0 : i32
    %dma_start3A_32 = tpu.memref_slice %arg9[%add3A_30, %dma_start3A_31] : memref<10240x128xf32, #tpu.memory_space<vmem_shared>> -> memref<128x128xf32, #tpu.memory_space<vmem_shared>>
    tpu.enqueue_dma source(%arg4 : memref<128x128xf32, #tpu.memory_space<hbm>>) target(%dma_start3A_32 : memref<128x128xf32, #tpu.memory_space<vmem_shared>>) target_semaphore(%arg12 : memref<!tpu.dma_semaphore, #tpu.memory_space<semaphore_mem>>)
    %mul3A_33 = arith.constant 640 : i32
    %mul3A_34 = arith.muli %arg1, %mul3A_33 : i32
    %add3A_35 = arith.constant 256 : i32
    %add3A_36 = arith.addi %mul3A_34, %add3A_35 : i32
    %dma_start3A_37 = arith.constant 0 : i32
    %dma_start3A_38 = tpu.memref_slice %arg9[%add3A_36, %dma_start3A_37] : memref<10240x128xf32, #tpu.memory_space<vmem_shared>> -> memref<128x128xf32, #tpu.memory_space<vmem_shared>>
    tpu.enqueue_dma source(%arg4 : memref<128x128xf32, #tpu.memory_space<hbm>>) target(%dma_start3A_38 : memref<128x128xf32, #tpu.memory_space<vmem_shared>>) target_semaphore(%arg12 : memref<!tpu.dma_semaphore, #tpu.memory_space<semaphore_mem>>)
    %mul3A_39 = arith.constant 640 : i32
    %mul3A_40 = arith.muli %arg1, %mul3A_39 : i32
    %add3A_41 = arith.constant 384 : i32
    %add3A_42 = arith.addi %mul3A_40, %add3A_41 : i32
    %dma_start3A_43 = arith.constant 0 : i32
    %dma_start3A_44 = tpu.memref_slice %arg9[%add3A_42, %dma_start3A_43] : memref<10240x128xf32, #tpu.memory_space<vmem_shared>> -> memref<128x128xf32, #tpu.memory_space<vmem_shared>>
    tpu.enqueue_dma source(%arg4 : memref<128x128xf32, #tpu.memory_space<hbm>>) target(%dma_start3A_44 : memref<128x128xf32, #tpu.memory_space<vmem_shared>>) target_semaphore(%arg12 : memref<!tpu.dma_semaphore, #tpu.memory_space<semaphore_mem>>)
    %mul3A_45 = arith.constant 640 : i32
    %mul3A_46 = arith.muli %arg1, %mul3A_45 : i32
    %add3A_47 = arith.constant 512 : i32
    %add3A_48 = arith.addi %mul3A_46, %add3A_47 : i32
    %dma_start3A_49 = arith.constant 0 : i32
    %dma_start3A_50 = tpu.memref_slice %arg9[%add3A_48, %dma_start3A_49] : memref<10240x128xf32, #tpu.memory_space<vmem_shared>> -> memref<128x128xf32, #tpu.memory_space<vmem_shared>>
    tpu.enqueue_dma source(%arg4 : memref<128x128xf32, #tpu.memory_space<hbm>>) target(%dma_start3A_50 : memref<128x128xf32, #tpu.memory_space<vmem_shared>>) target_semaphore(%arg12 : memref<!tpu.dma_semaphore, #tpu.memory_space<semaphore_mem>>)
    %dma_wait3A = arith.constant 0 : i32
    %dma_wait3A_51 = tpu.memref_slice %arg9[%add3A_24, %dma_wait3A] : memref<10240x128xf32, #tpu.memory_space<vmem_shared>> -> memref<128x128xf32, #tpu.memory_space<vmem_shared>>
    tpu.wait_dma2 semaphore(%arg12 : memref<!tpu.dma_semaphore, #tpu.memory_space<semaphore_mem>>) src(%arg4 : memref<128x128xf32, #tpu.memory_space<hbm>>) dst(%dma_wait3A_51 : memref<128x128xf32, #tpu.memory_space<vmem_shared>>)
    %dma_wait3A_52 = arith.constant 0 : i32
    %dma_wait3A_53 = tpu.memref_slice %arg9[%add3A_30, %dma_wait3A_52] : memref<10240x128xf32, #tpu.memory_space<vmem_shared>> -> memref<128x128xf32, #tpu.memory_space<vmem_shared>>
    tpu.wait_dma2 semaphore(%arg12 : memref<!tpu.dma_semaphore, #tpu.memory_space<semaphore_mem>>) src(%arg4 : memref<128x128xf32, #tpu.memory_space<hbm>>) dst(%dma_wait3A_53 : memref<128x128xf32, #tpu.memory_space<vmem_shared>>)
    %dma_wait3A_54 = arith.constant 0 : i32
    %dma_wait3A_55 = tpu.memref_slice %arg9[%add3A_36, %dma_wait3A_54] : memref<10240x128xf32, #tpu.memory_space<vmem_shared>> -> memref<128x128xf32, #tpu.memory_space<vmem_shared>>
    tpu.wait_dma2 semaphore(%arg12 : memref<!tpu.dma_semaphore, #tpu.memory_space<semaphore_mem>>) src(%arg4 : memref<128x128xf32, #tpu.memory_space<hbm>>) dst(%dma_wait3A_55 : memref<128x128xf32, #tpu.memory_space<vmem_shared>>)
    %dma_wait3A_56 = arith.constant 0 : i32
    %dma_wait3A_57 = tpu.memref_slice %arg9[%add3A_42, %dma_wait3A_56] : memref<10240x128xf32, #tpu.memory_space<vmem_shared>> -> memref<128x128xf32, #tpu.memory_space<vmem_shared>>
    tpu.wait_dma2 semaphore(%arg12 : memref<!tpu.dma_semaphore, #tpu.memory_space<semaphore_mem>>) src(%arg4 : memref<128x128xf32, #tpu.memory_space<hbm>>) dst(%dma_wait3A_57 : memref<128x128xf32, #tpu.memory_space<vmem_shared>>)
    %dma_wait3A_58 = arith.constant 0 : i32
    %dma_wait3A_59 = tpu.memref_slice %arg9[%add3A_48, %dma_wait3A_58] : memref<10240x128xf32, #tpu.memory_space<vmem_shared>> -> memref<128x128xf32, #tpu.memory_space<vmem_shared>>
    tpu.wait_dma2 semaphore(%arg12 : memref<!tpu.dma_semaphore, #tpu.memory_space<semaphore_mem>>) src(%arg4 : memref<128x128xf32, #tpu.memory_space<hbm>>) dst(%dma_wait3A_59 : memref<128x128xf32, #tpu.memory_space<vmem_shared>>)
    %dma_wait3A_60 = arith.constant 0 : i32
    %dma_wait3A_61 = tpu.memref_slice %arg3[%mul3A_0, %dma_wait3A_60] : memref<1280x128xi32, #tpu.memory_space<hbm>> -> memref<80x128xi32, #tpu.memory_space<hbm>>
    %dma_wait3A_62 = arith.constant 0 : i32
    %dma_wait3A_63 = tpu.memref_slice %arg3[%mul3A_0, %dma_wait3A_62] : memref<1280x128xi32, #tpu.memory_space<hbm>> -> memref<80x128xi32, #tpu.memory_space<hbm>>
    tpu.wait_dma2 semaphore(%arg14 : memref<!tpu.dma_semaphore, #tpu.memory_space<semaphore_mem>>) src(%dma_wait3A_63 : memref<80x128xi32, #tpu.memory_space<hbm>>) dst(%arg6 : memref<80x128xi32, #tpu.memory_space<vmem>>)
    %barrier3A = arith.constant 0 : index
    tpu.barrier barrier_id(%barrier3A)
    %scan3A = arith.constant 0 : i32
    %scan3A_64 = arith.constant 0 : i32
    %scan3A_65 = arith.constant 40 : i32
    %scan3A_66 = arith.addi %scan3A_64, %scan3A_65 : i32
    %scan3A_67 = arith.constant 1 : i32
    scf.for %scan3A_76 = %scan3A_64 to %scan3A_66 step %scan3A_67  : i32 {
      %mul3A_77 = arith.constant 2 : i32
      %mul3A_78 = arith.muli %scan3A_76, %mul3A_77 : i32
      %add3A_79 = arith.constant 0 : i32
      %add3A_80 = arith.addi %mul3A_78, %add3A_79 : i32
      %add3A_81 = arith.addi %mul3A_0, %add3A_80 : i32
      %lt3A_82 = arith.cmpi slt, %add3A_80, %min3A_2 : i32
      %convert_element_type3A_83 = arith.extui %lt3A_82 : i1 to i32
      %cond3A_84 = arith.constant 0 : i32
      %cond3A_85 = arith.cmpi ne, %convert_element_type3A_83, %cond3A_84 : i32
      scf.if %cond3A_85 {
        %mul3A_95 = arith.constant 128 : i32
        %mul3A_96 = arith.muli %add3A_81, %mul3A_95 : i32
        %mul3A_97 = arith.constant 128 : i32
        %mul3A_98 = arith.muli %arg0, %mul3A_97 : i32
        %dma_wait3A_99 = tpu.memref_slice %arg2[%mul3A_96, %mul3A_98] : memref<160000x256xf32, #tpu.memory_space<hbm>> -> memref<128x128xf32, #tpu.memory_space<hbm>>
        %dma_wait3A_100 = tpu.memref_slice %arg2[%mul3A_96, %mul3A_98] : memref<160000x256xf32, #tpu.memory_space<hbm>> -> memref<128x128xf32, #tpu.memory_space<hbm>>
        tpu.wait_dma2 semaphore(%arg10 : memref<!tpu.dma_semaphore, #tpu.memory_space<semaphore_mem>>) src(%dma_wait3A_100 : memref<128x128xf32, #tpu.memory_space<hbm>>) dst(%arg7 : memref<128x128xf32, #tpu.memory_space<vmem>>)
        "tpu.region"() ({
          %run_scoped3A = tpu.sem_alloc : memref<!tpu.dma_semaphore, #tpu.memory_space<semaphore_mem>>
          %dma_start3A_107 = arith.constant 0 : i32
          %dma_start3A_108 = tpu.memref_slice %arg6[%add3A_80, %dma_start3A_107] : memref<80x128xi32, #tpu.memory_space<vmem>> -> memref<1x128xi32, #tpu.memory_space<vmem>>
          %dma_start3A_109 = tpu.memref_squeeze %dma_start3A_108 : memref<1x128xi32, #tpu.memory_space<vmem>> -> memref<128xi32, #tpu.memory_space<vmem>>
          %dma_start3A_110 = arith.constant 0 : i32
          %dma_start3A_111 = arith.constant 0 : i32
          %dma_start3A_112 = tpu.memref_slice %arg9[%dma_start3A_110, %dma_start3A_111] : memref<10240x128xf32, #tpu.memory_space<vmem_shared>> -> memref<10240x128xf32, #tpu.memory_space<vmem_shared>>
          tpu.enqueue_indirect_dma source(%arg7 : memref<128x128xf32, #tpu.memory_space<vmem>>) target(%dma_start3A_112 : memref<10240x128xf32, #tpu.memory_space<vmem_shared>>) offsets(%dma_start3A_109 : memref<128xi32, #tpu.memory_space<vmem>>) semaphore(%run_scoped3A : memref<!tpu.dma_semaphore, #tpu.memory_space<semaphore_mem>>) {add = true}
          %dma_wait3A_113 = arith.constant 0 : i32
          %dma_wait3A_114 = tpu.memref_slice %arg6[%add3A_80, %dma_wait3A_113] : memref<80x128xi32, #tpu.memory_space<vmem>> -> memref<1x128xi32, #tpu.memory_space<vmem>>
          %dma_wait3A_115 = tpu.memref_squeeze %dma_wait3A_114 : memref<1x128xi32, #tpu.memory_space<vmem>> -> memref<128xi32, #tpu.memory_space<vmem>>
          %dma_wait3A_116 = arith.constant 0 : i32
          %dma_wait3A_117 = arith.constant 0 : i32
          %dma_wait3A_118 = tpu.memref_slice %arg9[%dma_wait3A_116, %dma_wait3A_117] : memref<10240x128xf32, #tpu.memory_space<vmem_shared>> -> memref<10240x128xf32, #tpu.memory_space<vmem_shared>>
          tpu.wait_indirect_dma semaphore(%run_scoped3A : memref<!tpu.dma_semaphore, #tpu.memory_space<semaphore_mem>>) src(%arg7 : memref<128x128xf32, #tpu.memory_space<vmem>>) dst(%dma_wait3A_118 : memref<10240x128xf32, #tpu.memory_space<vmem_shared>>)
          tpu.yield
        }) : () -> ()
        %add3A_101 = arith.constant 2 : i32
        %add3A_102 = arith.addi %add3A_80, %add3A_101 : i32
        %lt3A_103 = arith.cmpi slt, %add3A_102, %min3A_2 : i32
        %convert_element_type3A_104 = arith.extui %lt3A_103 : i1 to i32
        %cond3A_105 = arith.constant 0 : i32
        %cond3A_106 = arith.cmpi ne, %convert_element_type3A_104, %cond3A_105 : i32
        scf.if %cond3A_106 {
          %add3A_107 = arith.constant 2 : i32
          %add3A_108 = arith.addi %add3A_81, %add3A_107 : i32
          %mul3A_109 = arith.constant 128 : i32
          %mul3A_110 = arith.muli %add3A_108, %mul3A_109 : i32
          %mul3A_111 = arith.constant 128 : i32
          %mul3A_112 = arith.muli %arg0, %mul3A_111 : i32
          %dma_start3A_113 = tpu.memref_slice %arg2[%mul3A_110, %mul3A_112] : memref<160000x256xf32, #tpu.memory_space<hbm>> -> memref<128x128xf32, #tpu.memory_space<hbm>>
          %dma_start3A_114 = tpu.memref_slice %arg2[%mul3A_110, %mul3A_112] : memref<160000x256xf32, #tpu.memory_space<hbm>> -> memref<128x128xf32, #tpu.memory_space<hbm>>
          tpu.enqueue_dma source(%dma_start3A_114 : memref<128x128xf32, #tpu.memory_space<hbm>>) target(%arg7 : memref<128x128xf32, #tpu.memory_space<vmem>>) target_semaphore(%arg10 : memref<!tpu.dma_semaphore, #tpu.memory_space<semaphore_mem>>)
        } else {
        }
      } else {
      }
      %mul3A_86 = arith.constant 2 : i32
      %mul3A_87 = arith.muli %scan3A_76, %mul3A_86 : i32
      %add3A_88 = arith.constant 1 : i32
      %add3A_89 = arith.addi %mul3A_87, %add3A_88 : i32
      %add3A_90 = arith.addi %mul3A_0, %add3A_89 : i32
      %lt3A_91 = arith.cmpi slt, %add3A_89, %min3A_2 : i32
      %convert_element_type3A_92 = arith.extui %lt3A_91 : i1 to i32
      %cond3A_93 = arith.constant 0 : i32
      %cond3A_94 = arith.cmpi ne, %convert_element_type3A_92, %cond3A_93 : i32
      scf.if %cond3A_94 {
        %mul3A_95 = arith.constant 128 : i32
        %mul3A_96 = arith.muli %add3A_90, %mul3A_95 : i32
        %mul3A_97 = arith.constant 128 : i32
        %mul3A_98 = arith.muli %arg0, %mul3A_97 : i32
        %dma_wait3A_99 = tpu.memref_slice %arg2[%mul3A_96, %mul3A_98] : memref<160000x256xf32, #tpu.memory_space<hbm>> -> memref<128x128xf32, #tpu.memory_space<hbm>>
        %dma_wait3A_100 = tpu.memref_slice %arg2[%mul3A_96, %mul3A_98] : memref<160000x256xf32, #tpu.memory_space<hbm>> -> memref<128x128xf32, #tpu.memory_space<hbm>>
        tpu.wait_dma2 semaphore(%arg11 : memref<!tpu.dma_semaphore, #tpu.memory_space<semaphore_mem>>) src(%dma_wait3A_100 : memref<128x128xf32, #tpu.memory_space<hbm>>) dst(%arg8 : memref<128x128xf32, #tpu.memory_space<vmem>>)
        "tpu.region"() ({
          %run_scoped3A = tpu.sem_alloc : memref<!tpu.dma_semaphore, #tpu.memory_space<semaphore_mem>>
          %dma_start3A_107 = arith.constant 0 : i32
          %dma_start3A_108 = tpu.memref_slice %arg6[%add3A_89, %dma_start3A_107] : memref<80x128xi32, #tpu.memory_space<vmem>> -> memref<1x128xi32, #tpu.memory_space<vmem>>
          %dma_start3A_109 = tpu.memref_squeeze %dma_start3A_108 : memref<1x128xi32, #tpu.memory_space<vmem>> -> memref<128xi32, #tpu.memory_space<vmem>>
          %dma_start3A_110 = arith.constant 0 : i32
          %dma_start3A_111 = arith.constant 0 : i32
          %dma_start3A_112 = tpu.memref_slice %arg9[%dma_start3A_110, %dma_start3A_111] : memref<10240x128xf32, #tpu.memory_space<vmem_shared>> -> memref<10240x128xf32, #tpu.memory_space<vmem_shared>>
          tpu.enqueue_indirect_dma source(%arg8 : memref<128x128xf32, #tpu.memory_space<vmem>>) target(%dma_start3A_112 : memref<10240x128xf32, #tpu.memory_space<vmem_shared>>) offsets(%dma_start3A_109 : memref<128xi32, #tpu.memory_space<vmem>>) semaphore(%run_scoped3A : memref<!tpu.dma_semaphore, #tpu.memory_space<semaphore_mem>>) {add = true}
          %dma_wait3A_113 = arith.constant 0 : i32
          %dma_wait3A_114 = tpu.memref_slice %arg6[%add3A_89, %dma_wait3A_113] : memref<80x128xi32, #tpu.memory_space<vmem>> -> memref<1x128xi32, #tpu.memory_space<vmem>>
          %dma_wait3A_115 = tpu.memref_squeeze %dma_wait3A_114 : memref<1x128xi32, #tpu.memory_space<vmem>> -> memref<128xi32, #tpu.memory_space<vmem>>
          %dma_wait3A_116 = arith.constant 0 : i32
          %dma_wait3A_117 = arith.constant 0 : i32
          %dma_wait3A_118 = tpu.memref_slice %arg9[%dma_wait3A_116, %dma_wait3A_117] : memref<10240x128xf32, #tpu.memory_space<vmem_shared>> -> memref<10240x128xf32, #tpu.memory_space<vmem_shared>>
          tpu.wait_indirect_dma semaphore(%run_scoped3A : memref<!tpu.dma_semaphore, #tpu.memory_space<semaphore_mem>>) src(%arg8 : memref<128x128xf32, #tpu.memory_space<vmem>>) dst(%dma_wait3A_118 : memref<10240x128xf32, #tpu.memory_space<vmem_shared>>)
          tpu.yield
        }) : () -> ()
        %add3A_101 = arith.constant 2 : i32
        %add3A_102 = arith.addi %add3A_89, %add3A_101 : i32
        %lt3A_103 = arith.cmpi slt, %add3A_102, %min3A_2 : i32
        %convert_element_type3A_104 = arith.extui %lt3A_103 : i1 to i32
        %cond3A_105 = arith.constant 0 : i32
        %cond3A_106 = arith.cmpi ne, %convert_element_type3A_104, %cond3A_105 : i32
        scf.if %cond3A_106 {
          %add3A_107 = arith.constant 2 : i32
          %add3A_108 = arith.addi %add3A_90, %add3A_107 : i32
          %mul3A_109 = arith.constant 128 : i32
          %mul3A_110 = arith.muli %add3A_108, %mul3A_109 : i32
          %mul3A_111 = arith.constant 128 : i32
          %mul3A_112 = arith.muli %arg0, %mul3A_111 : i32
          %dma_start3A_113 = tpu.memref_slice %arg2[%mul3A_110, %mul3A_112] : memref<160000x256xf32, #tpu.memory_space<hbm>> -> memref<128x128xf32, #tpu.memory_space<hbm>>
          %dma_start3A_114 = tpu.memref_slice %arg2[%mul3A_110, %mul3A_112] : memref<160000x256xf32, #tpu.memory_space<hbm>> -> memref<128x128xf32, #tpu.memory_space<hbm>>
          tpu.enqueue_dma source(%dma_start3A_114 : memref<128x128xf32, #tpu.memory_space<hbm>>) target(%arg8 : memref<128x128xf32, #tpu.memory_space<vmem>>) target_semaphore(%arg11 : memref<!tpu.dma_semaphore, #tpu.memory_space<semaphore_mem>>)
        } else {
        }
      } else {
      }
    }
    %scan3A_68 = arith.constant 40 : i32
    %barrier3A_69 = arith.constant 0 : index
    tpu.barrier barrier_id(%barrier3A_69)
    %lt3A = arith.constant 15 : i32
    %lt3A_70 = arith.cmpi slt, %arg1, %lt3A : i32
    %convert_element_type3A = arith.extui %lt3A_70 : i1 to i32
    %cond3A = arith.constant 0 : i32
    %cond3A_71 = arith.cmpi ne, %convert_element_type3A, %cond3A : i32
    scf.if %cond3A_71 {
      %mul3A_76 = arith.constant 640 : i32
      %mul3A_77 = arith.muli %arg1, %mul3A_76 : i32
      %mul3A_78 = arith.constant 640 : i32
      %mul3A_79 = arith.muli %arg1, %mul3A_78 : i32
      %mul3A_80 = arith.constant 128 : i32
      %mul3A_81 = arith.muli %arg0, %mul3A_80 : i32
      "tpu.region"() ({
        %run_scoped3A = tpu.sem_alloc : memref<!tpu.dma_semaphore, #tpu.memory_space<semaphore_mem>>
        %dma_start3A_82 = tpu.memref_slice %arg5[%mul3A_79, %mul3A_81] : memref<10000x256xf32, #tpu.memory_space<hbm>> -> memref<640x128xf32, #tpu.memory_space<hbm>>
        %dma_start3A_83 = arith.constant 0 : i32
        %dma_start3A_84 = tpu.memref_slice %arg9[%mul3A_77, %dma_start3A_83] : memref<10240x128xf32, #tpu.memory_space<vmem_shared>> -> memref<640x128xf32, #tpu.memory_space<vmem_shared>>
        tpu.enqueue_dma source(%dma_start3A_84 : memref<640x128xf32, #tpu.memory_space<vmem_shared>>) target(%dma_start3A_82 : memref<640x128xf32, #tpu.memory_space<hbm>>) target_semaphore(%run_scoped3A : memref<!tpu.dma_semaphore, #tpu.memory_space<semaphore_mem>>)
        %dma_wait3A_85 = tpu.memref_slice %arg5[%mul3A_79, %mul3A_81] : memref<10000x256xf32, #tpu.memory_space<hbm>> -> memref<640x128xf32, #tpu.memory_space<hbm>>
        %dma_wait3A_86 = arith.constant 0 : i32
        %dma_wait3A_87 = tpu.memref_slice %arg9[%mul3A_77, %dma_wait3A_86] : memref<10240x128xf32, #tpu.memory_space<vmem_shared>> -> memref<640x128xf32, #tpu.memory_space<vmem_shared>>
        tpu.wait_dma2 semaphore(%run_scoped3A : memref<!tpu.dma_semaphore, #tpu.memory_space<semaphore_mem>>) src(%dma_wait3A_87 : memref<640x128xf32, #tpu.memory_space<vmem_shared>>) dst(%dma_wait3A_85 : memref<640x128xf32, #tpu.memory_space<hbm>>)
        tpu.yield
      }) : () -> ()
    } else {
    }
    %eq3A = arith.constant 15 : i32
    %eq3A_72 = arith.cmpi eq, %arg1, %eq3A : i32
    %convert_element_type3A_73 = arith.extui %eq3A_72 : i1 to i32
    %cond3A_74 = arith.constant 0 : i32
    %cond3A_75 = arith.cmpi ne, %convert_element_type3A_73, %cond3A_74 : i32
    scf.if %cond3A_75 {
      %mul3A_76 = arith.constant 128 : i32
      %mul3A_77 = arith.muli %arg0, %mul3A_76 : i32
      "tpu.region"() ({
        %run_scoped3A = tpu.sem_alloc : memref<!tpu.dma_semaphore, #tpu.memory_space<semaphore_mem>>
        %dma_start3A_78 = arith.constant 9600 : i32
        %dma_start3A_79 = tpu.memref_slice %arg5[%dma_start3A_78, %mul3A_77] : memref<10000x256xf32, #tpu.memory_space<hbm>> -> memref<400x128xf32, #tpu.memory_space<hbm>>
        %dma_start3A_80 = arith.constant 9600 : i32
        %dma_start3A_81 = arith.constant 0 : i32
        %dma_start3A_82 = tpu.memref_slice %arg9[%dma_start3A_80, %dma_start3A_81] : memref<10240x128xf32, #tpu.memory_space<vmem_shared>> -> memref<400x128xf32, #tpu.memory_space<vmem_shared>>
        tpu.enqueue_dma source(%dma_start3A_82 : memref<400x128xf32, #tpu.memory_space<vmem_shared>>) target(%dma_start3A_79 : memref<400x128xf32, #tpu.memory_space<hbm>>) target_semaphore(%run_scoped3A : memref<!tpu.dma_semaphore, #tpu.memory_space<semaphore_mem>>)
        %dma_wait3A_83 = arith.constant 9600 : i32
        %dma_wait3A_84 = tpu.memref_slice %arg5[%dma_wait3A_83, %mul3A_77] : memref<10000x256xf32, #tpu.memory_space<hbm>> -> memref<400x128xf32, #tpu.memory_space<hbm>>
        %dma_wait3A_85 = arith.constant 9600 : i32
        %dma_wait3A_86 = arith.constant 0 : i32
        %dma_wait3A_87 = tpu.memref_slice %arg9[%dma_wait3A_85, %dma_wait3A_86] : memref<10240x128xf32, #tpu.memory_space<vmem_shared>> -> memref<400x128xf32, #tpu.memory_space<vmem_shared>>
        tpu.wait_dma2 semaphore(%run_scoped3A : memref<!tpu.dma_semaphore, #tpu.memory_space<semaphore_mem>>) src(%dma_wait3A_87 : memref<400x128xf32, #tpu.memory_space<vmem_shared>>) dst(%dma_wait3A_84 : memref<400x128xf32, #tpu.memory_space<hbm>>)
        tpu.yield
      }) : () -> ()
    } else {
    }
    return
  }
}

</mosaic_0001>

<sc_bundles>
// kernel: kernel.3.cloned.1.call-start
scs
__scs_entry_jumppad:
0x0: {  	(pc) =	sbr.rel $0x88, $3  }
0x1: {  	(tag) =	ssettag $0x0;
	lr =	simm.s32 $0x1  }
0x2: {  	[smem:$0x3F9F] =	sst lr;
	_ =	strace $0xD0000000  }
0x3: {  	_ = 	snop  }
0x4: {  	_ = 	snop  }
0x5: {  	_ = 	snop  }
0x6: {  	_ = 	snop  }
0x7: {  	_ = 	snop  }
__scs_overlays_trampoline_lowered:
0x8: {  	[smem:$0x3FAE] =	sst s0  }
0x9: {  	[smem:$0x3FAF] =	sst s1  }
0xa: {  	[smem:$0x3FB0] =	sst s2  }
0xb: {  	[smem:$0x3FB1] =	sst s3  }
0xc: {  	[smem:$0x3FB2] =	sst s4  }
0xd: {  	[smem:$0x3FB3] =	sst s5  }
0xe: {  	[smem:$0x3FB4] =	sst s6  }
0xf: {  	[smem:$0x3FB5] =	sst s7  }
0x10: {  	[smem:$0x3FB6] =	sst s8  }
0x11: {  	[smem:$0x3FB7] =	sst s9;
	s0 =	simm.s32 @!p0 $0x0  }
0x12: {  	s1 =	sld [smem:$0x3F9D];
	s0 =	simm.s32 @p0 $0x1  }
0x13: {  	[smem:$0x3FB8] =	sst s0;
	s0 =	simm.s32 @!p1 $0x0  }
0x14: {  	s2 =	sld [smem:$0x3F9C];
	s0 =	simm.s32 @p1 $0x1  }
0x15: {  	[smem:$0x3FB9] =	sst s0;
	s0 =	simm.s32 @!p2 $0x0  }
0x16: {  	s3 =	sld [smem:$0x3FDB];
	s0 =	simm.s32 @p2 $0x1  }
0x17: {  	s4 =	simm.s32 $0x1BF5;
	[smem:$0x3FBB] =	sst s0  }
0x18: {  	s0 =	sld [smem:$0x3F9E];
	_ =	swait.ge [sflag:s4], $0x0  }
0x19: {  	s7 =	sld [smem:$0x3F9F]  }
0x1a: {  	s8 =	sadd.s32 $0xFFFFE003, lr  }
0x1b: {  	s9 =	sadd.s32 $0xFFFFFEF7, lr;
	s5 =	simm.s32 $0xFFFFFFFF;
	p2 =	slt.u32 s8, $0xFFFFF086  }
0x1c: {  	p1 =	slt.u32 s9, $0xF7A;
	s5 =	simm.s32 @!p2 $0x0  }
0x1d: {  	s5 =	simm.s32 @p1 $0x1;
	p0 =	seq.s32 s7, s2  }
0x1e: {  	s7 =	smul.u32 @!p0 $0xF7A, s2;
	p2 =	seq.s32 @!p0 s5, $0x0  }
0x1f: {  	s9 =	smul.u32 $0xF7A, s1;
	s8 =	simm.s32 @!p0 $0x1BF5;
	p2 =	por !p2, p0  }
0x20: {  	[sflag:s8] =	ssyncset.s32 @!p0 $0xFFFFF086;
	s6 =	sadd.s32 @!p0 s3, s7;
	s7 =	simm.s32 @!p0 $0x108  }
0x21: {  	s3 =	sadd.s32 s3, s9;
	s6 =	sadd.s32 @!p0 $0x88, s6;
	s7 =	simm.s32 @p2 $0x1082  }
0x22: {  	[simem:s7], [sflag:s8] =	dma.local @!p0 [hbm:s6], $0xF7A  }
0x23: {  	s9 =	sor.u32 $0xD0000000, s2;
	s6 =	simm.s32 $0x108;
	_ =	swait.ge @!p0 [sflag:s8], $0x0  }
0x24: {  	s3 =	sadd.s32 $0x88, s3;
	s6 =	simm.s32 @!p1 $0x1082;
	[sflag:s4] =	ssyncset.s32 $0xFFFFF086  }
0x25: {  	[simem:s6], [sflag:s4] =	dma.local [hbm:s3], $0xF7A  }
0x26: {  	[smem:$0x3F9F] =	sst s1;
	(tag) =	ssettag s2;
	_ =	strace s9  }
0x27: {  	s1 =	sld [smem:$0x3FAF]  }
0x28: {  	s2 =	sld [smem:$0x3FB0]  }
0x29: {  	s4 =	sld [smem:$0x3FB2]  }
0x2a: {  	p0 =	seq.s32 s5, $0x0;
	s5 =	sld [smem:$0x3FB3]  }
0x2b: {  	s6 =	sld [smem:$0x3FB4]  }
0x2c: {  	s7 =	sld [smem:$0x3FB5]  }
0x2d: {  	s3 =	simm.s32 $0x108;
	s8 =	sld [smem:$0x3FB6]  }
0x2e: {  	s3 =	simm.s32 @!p0 $0x1082;
	s9 =	sld [smem:$0x3FB7]  }
0x2f: {  	lr =	sadd.s32 s0, s3;
	s0 =	sld [smem:$0x3FAE]  }
0x30: {  	s3 =	sld [smem:$0x3FB1]  }
0x31: {  	[smem:$0x3FBA] =	sst s10  }
0x32: {  	s10 =	sld [smem:$0x3FB8];
	_ =	sdelay $0x3  }
0x33: {  	p0 =	seq.s32 s10, $0x1;
	s10 =	sld [smem:$0x3FBA];
	_ =	sdelay $0x3  }
0x34: {  	[smem:$0x3FBA] =	sst s10  }
0x35: {  	s10 =	sld [smem:$0x3FB9];
	_ =	sdelay $0x3  }
0x36: {  	p1 =	seq.s32 s10, $0x1;
	s10 =	sld [smem:$0x3FBA];
	_ =	sdelay $0x3  }
0x37: {  	[smem:$0x3FBA] =	sst s10  }
0x38: {  	s10 =	sld [smem:$0x3FBB]  }
0x39: {  	_ = 	snop;
	(pc) =	sbr.ind lr, $3  }
0x3a: {  	_ = 	snop  }
0x3b: {  	_ = 	snop  }
0x3c: {  	p2 =	seq.s32 s10, $0x1;
	s10 =	sld [smem:$0x3FBA]  }
0x3d: {  	_ =	shalt  }
0x3e: {  	_ =	shalt  }
0x3f: {  	_ =	shalt  }
0x40: {  	_ =	shalt  }
0x41: {  	_ =	shalt  }
0x42: {  	_ =	shalt  }
0x43: {  	_ =	shalt  }
0x44: {  	_ =	shalt  }
0x45: {  	_ =	shalt  }
0x46: {  	_ =	shalt  }
0x47: {  	_ =	shalt  }
0x48: {  	_ =	shalt  }
0x49: {  	_ =	shalt  }
0x4a: {  	_ =	shalt  }
0x4b: {  	_ =	shalt  }
0x4c: {  	_ =	shalt  }
0x4d: {  	_ =	shalt  }
0x4e: {  	_ =	shalt  }
0x4f: {  	_ =	shalt  }
0x50: {  	_ =	shalt  }
0x51: {  	_ =	shalt  }
0x52: {  	_ =	shalt  }
0x53: {  	_ =	shalt  }
0x54: {  	_ =	shalt  }
0x55: {  	_ =	shalt  }
0x56: {  	_ =	shalt  }
0x57: {  	_ =	shalt  }
0x58: {  	_ =	shalt  }
0x59: {  	_ =	shalt  }
0x5a: {  	_ =	shalt  }
0x5b: {  	_ =	shalt  }
0x5c: {  	_ =	shalt  }
0x5d: {  	_ =	shalt  }
0x5e: {  	_ =	shalt  }
0x5f: {  	_ =	shalt  }
0x60: {  	_ =	shalt  }
0x61: {  	_ =	shalt  }
0x62: {  	_ =	shalt  }
0x63: {  	_ =	shalt  }
0x64: {  	_ =	shalt  }
0x65: {  	_ =	shalt  }
0x66: {  	_ =	shalt  }
0x67: {  	_ =	shalt  }
0x68: {  	_ =	shalt  }
0x69: {  	_ =	shalt  }
0x6a: {  	_ =	shalt  }
0x6b: {  	_ =	shalt  }
0x6c: {  	_ =	shalt  }
0x6d: {  	_ =	shalt  }
0x6e: {  	_ =	shalt  }
0x6f: {  	_ =	shalt  }
0x70: {  	_ =	shalt  }
0x71: {  	_ =	shalt  }
0x72: {  	_ =	shalt  }
0x73: {  	_ =	shalt  }
0x74: {  	_ =	shalt  }
0x75: {  	_ =	shalt  }
0x76: {  	_ =	shalt  }
0x77: {  	_ =	shalt  }
0x78: {  	_ =	shalt  }
0x79: {  	_ =	shalt  }
0x7a: {  	_ =	shalt  }
0x7b: {  	_ =	shalt  }
0x7c: {  	_ =	shalt  }
0x7d: {  	_ =	shalt  }
0x7e: {  	_ =	shalt  }
0x7f: {  	_ =	shalt  }
0x80: {  	_ =	shalt  }
0x81: {  	_ =	shalt  }
0x82: {  	_ =	shalt  }
0x83: {  	_ =	shalt  }
0x84: {  	_ =	shalt  }
0x85: {  	_ =	shalt  }
0x86: {  	_ =	shalt  }
0x87: {  	_ =	shalt  }
.Lfunc_end0:
.L_simem_size_0:
called_computation_lowered:
.L_overlay_start_0:
0x88: {  	s2 =	sld [smem:$0x3FD9]  }
0x89: {  	s3 =	sld [smem:$0x3FFE];
	_ =	sdelay $0x1  }
0x8a: {  	s1 =	srdreg.scid  }
0x8b: {  	s0 =	sand.u32 $0x1, s1  }
0x8c: {  	s17 =	sshll.u32 s0, $0xA;
	s2 =	sadd.s32 s3, s2  }
0x8d: {  	s2 =	sadd.s32 s2, s17  }
0x8e: {  	[smem:$0x3FC6] =	sst s2  }
0x8f: {  	_ = 	snop  }
0x90: {  	s2 =	sld [smem:$0x3FC9]  }
0x91: {  	s18 =	sld [smem:$0x3FD0];
	(tm) =	ssettm $0x1  }
0x92: {  	s4 =	sld [smem:$0x3FFB];
	_ =	sdelay $0x3  }
0x93: {  	_ =	strace s4  }
0x94: {  	s4 =	sld [smem:$0x3FFC];
	_ =	sdelay $0x3  }
0x95: {  	_ =	strace s4  }
0x96: {  	s4 =	sld [smem:$0x3FFD];
	_ =	sdelay $0x3  }
0x97: {  	_ =	strace s4  }
0x98: {  	_ =	strace $0x8FFFFFFF  }
0x99: {  	s19 =	sld [smem:$0x3FDB];
	_ =	sdelay $0x1  }
0x9a: {  	s5 =	simm.s32 $_scs_section_size  }
0x9b: {  	s6 =	simm.s32 $_size__tile_overlayer_lowered;
	s7 =	simm.s32 $_tile_overlayer_lowered  }
0x9c: {  	s22 =	simm.s32 $0x1BFF;
	s21 =	sshll.u32 s7, $0x1;
	s4 =	sadd.s32 s5, s19  }
0x9d: {  	s8 =	simm.s32 $0x0;
	s20 =	sshll.u32 s6, $0x1;
	s6 =	sadd.s32 s21, s4  }
0x9e: {  	[timem:s8], [sflag:s22] =	dma.local [hbm:s6], s20  }
0x9f: {  	_ =	swait.ge [sflag:s22], s20  }
0xa0: {  	s5 =	ssub.s32 $0x0, s20;
	[sflag:s22] =	ssyncset.done $0x0  }
0xa1: {  	[sflag:s22] =	ssyncadd.s32 s5;
	_ =	sdelay $0x1  }
0xa2: {  	s23 =	simm.s32 $0x1B8B  }
0xa3: {  	_ =	swait.ge [sflag:s23], $0x1  }
0xa4: {  	[sflag:s23] =	ssyncset.done $0x0  }
0xa5: {  	s25 =	simm.s32 $0x1B8E;
	s24 =	sld [smem:$0x3FFE];
	[sflag:s23] =	ssyncadd.s32 $0xFFFFFFFF  }
0xa6: {  	s26 =	simm.s32 $execute0_lowered;
	[smem:$0x3FD2] =	sst s25  }
0xa7: {  	s6 =	sshll.u32 s26, $0x1;
	_ =	strace $0x80000046;
	[dreg:$0x1] =	wrdreg $0xFFFFFFFF  }
0xa8: {  	s28 =	simm.s32 $_size_execute0_lowered;
	s4 =	sadd.s32 s4, s6;
	[dreg:$0x0] =	wrdreg $0x0  }
0xa9: {  	s6 =	sshll.u32 s28, $0x1;
	[dreg:$0x2] =	wrdreg s4  }
0xaa: {  	[dreg:$0x3] =	wrdreg s6  }
0xab: {  	[dreg:$0x4] =	wrdreg $0xC0  }
0xac: {  	_ =	task [dreg:s8], $0x5FFFF  }
0xad: {  	[dreg:$0x1] =	wrdreg $0xFFFFFFFF  }
0xae: {  	[dreg:$0x0] =	wrdreg $0x60  }
0xaf: {  	[dreg:$0x2] =	wrdreg s2  }
0xb0: {  	[dreg:$0x3] =	wrdreg s24  }
0xb1: {  	[dreg:$0x4] =	wrdreg s18  }
0xb2: {  	[dreg:$0x5] =	wrdreg $0xA8000  }
0xb3: {  	[dreg:$0x6] =	wrdreg $0x9  }
0xb4: {  	_ =	task.clear_ibuf [dreg:s8], $0x7FFFF;
	_ =	strace $0x90000046  }
0xb5: {  	s29 =	simm.s32 $0x9;
	_ =	strace $0x80000048  }
0xb6: {  	_ =	swait.ge [sflag:s29], $0x1  }
0xb7: {  	[sflag:s29] =	ssyncadd.s32 $0xFFFFFFFF  }
0xb8: {  	_ =	strace $0x90000048  }
0xb9: {  	_ =	sfence  }
0xba: {  	s30 =	sld [smem:$0x0];
	_ =	sdelay $0x2  }
0xbb: {  	s31 =	sshll.u32 s1, $0xD;
	s1 =	sshrl.u32 s1, $0x2  }
0xbc: {  	s3 =	sand.u32 $0x4000, s31;
	s1 =	sadd.s32 s1, s30  }
0xbd: {  	s0 =	sor.u32 s3, s0;
	s1 =	sshll.u32 s1, $0x11  }
0xbe: {  	s0 =	sor.u32 s1, s0  }
0xbf: {  	s0 =	sadd.s32 $0x8F2B, s0  }
0xc0: {  	[sflag:s0] =	ssyncadd.remote.s32 $0x1  }
0xc1: {  	_ =	sfence.sel $0xFFFF  }
0xc2: {  	[dreg:$0x0] =	wrdreg $0xFFFFFFFF;
	(pc) =	sbr.abs _section_cstart, $3  }
0xc3: {  	[dreg:$0x1] =	wrdreg $0xFFFFFFFF  }
0xc4: {  	_ =	task.clear_ibuf [dreg:s8], $0x2FFFF;
	_ =	strace $0x9FFFFFFF  }
0xc5: {  	(tm) =	ssettm $0x7FFFFFFF  }
tec
execute0_lowered:
.L_overlay_start_1:
0x0: {  	(tag) =	ssettag $0x1  }
0x1: {  	s1 =	rddreg [dreg:$0x0]  }
0x2: {  	s0 =	rddreg [dreg:$0x1]  }
0x3: {  	s2 =	rddreg [dreg:$0x2];
	s26 =	stileid.u32  }
0x4: {  	s3 =	rddreg [dreg:$0x3];
	s17 =	smul.u32 $0x500, s26  }
0x5: {  	s5 =	simm.s32 $0x0;
	s4 =	srdreg.scid;
	s7 =	smul.u32 $0x50, s26  }
0x6: {  	s28 =	simm.s32 $0x4;
	s29 =	simm.s32 $0x0;
	s10 =	smul.u32 $0x280000, s26  }
0x7: {  	[smem:$0x7FF] =	sst s5;
	s4 =	sand.u32 $0x1, s4;
	s20 =	smul.u32 $0x50000, s26  }
0x8: {  	s5 =	sadd.s32 $0x5400, s0;
	s13 =	smul.u32 $0x28000, s26;
	s11 =	sshll.u32 s26, $0x6  }
0x9: {  	p0 =	seq.s32 s26, $0xF;
	s26 =	simm.s32 $0x3;
	_ =	strace $0x80000047  }
0xa: {  	s6 =	ssub.s32 $0x2, s4;
	s12 =	sshll.u32 s4, $0xA;
	s11 =	sor.u32 $0x1C03, s11  }
0xb: {  	s4 =	sshll.u32 s4, $0x7;
	s8 =	sadd.s32 s17, s0;
	s9 =	sshrl.u32 s6, $0x1  }
0xc: {  	s19 =	ssub.s32 $0x4E2, s7;
	s15 =	sor.u32 s12, s10;
	s24 =	sshrl.u32 s20, $0x2  }
0xd: {  	s12 =	sor.u32 s12, s13;
	s17 =	simm.s32 $0x400;
	s18 =	ssub.s32 s6, s9  }
0xe: {  	s6 =	smin.u32 s19, $0x50;
	s21 =	sadd.s32 $0x400, s8;
	s22 =	sshrl.u32 s15, $0x3  }
0xf: {  	s10 =	sadd.s32 s24, s3;
	s12 =	sshrl.u32 s12, $0x3;
	s30 =	sor.u32 $0x18000, s15  }
0x10: {  	s16 =	sor.u32 $0x10000, s15;
	[dreg:$0x5] =	wrdreg s21;
	s23 =	sadd.s32 s1, s22  }
0x11: {  	s19 =	sadd.s32 $0x4000, s10;
	s20 =	sadd.s32 $0x8000, s10;
	s24 =	sadd.s32 $0x10000, s10  }
0x12: {  	s25 =	sadd.s32 s2, s12;
	s2 =	sadd.s32 s4, s2;
	s14 =	smax.u32 s18, $0x1  }
0x13: {  	s31 =	sshrl.u32 s30, $0x3;
	s18 =	simm.s32 $0x800;
	[dreg:$0x6] =	wrdreg s23  }
0x14: {  	s7 =	sadd.s32 $0x1000, s23;
	s23 =	sadd.s32 $0xC000, s10;
	[dreg:$0x8] =	wrdreg s25  }
0x15: {  	s25 =	sadd.s32 $0x12C000, s3;
	s13 =	sadd.s32 $0x4B000, s2;
	s2 =	sadd.s32 s31, s1  }
0x16: {  	s21 =	sshrl.u32 s19, $0x3;
	s22 =	sshrl.u32 s20, $0x3;
	s24 =	sshrl.u32 s24, $0x3  }
0x17: {  	[dreg:$0x7] =	wrdreg s7;
	s23 =	sshrl.u32 s23, $0x3;
	s25 =	sshrl.u32 @p0 s25, $0x3  }
.LBB2_1:
0x18: {  	s7 =	simm.s32 $0x0;
	s0 =	rddreg [dreg:$0x5]  }
0x19: {  	[tilespmem:s7], [sflag:$0x4] =	stream.linear.gather [hbm4b:s0+s7], $0x2800, $0x38;
	[tilespmem:$0x1E800] =	vst v63  }
0x1a: {  	s12 =	rddreg [dreg:$0x6];
	s4 =	simm.s32 $0x2800  }
0x1b: {  	[tilespmem:s4], [sflag:$0x1] =	stream.strided.gather [hbm4b:s12+s17], $0x4000, s18, s17, $0x38;
	[tilespmem:$0x1E800] =	vst v63  }
0x1c: {  	s15 =	rddreg [dreg:$0x7];
	s19 =	simm.s32 $0x6800;
	s20 =	sshrl.u32 s10, $0x3  }
0x1d: {  	[tilespmem:s19], [sflag:$0x2] =	stream.strided.gather [hbm4b:s15+s17], $0x4000, s18, s17, $0x38;
	[tilespmem:$0x1E800] =	vst v63  }
0x1e: {  	[spmem:s20], [sflag:s11] =	dma.local [hbm:s5], $0x800  }
0x1f: {  	[spmem:s21], [sflag:s11] =	dma.local [hbm:s5], $0x800  }
0x20: {  	[spmem:s22], [sflag:s11] =	dma.local [hbm:s5], $0x800  }
0x21: {  	[spmem:s23], [sflag:s11] =	dma.local [hbm:s5], $0x800  }
0x22: {  	[spmem:s24], [sflag:s11] =	dma.local [hbm:s5], $0x800  }
0x23: {  	_ =	swait.ge [sflag:s26], $0x800  }
0x24: {  	[sflag:s26] =	ssyncset.done $0x0  }
0x25: {  	[sflag:s26] =	ssyncadd.s32 $0xFFFFF800  }
0x26: {  	_ =	swait.ge [sflag:s26], $0x800  }
0x27: {  	[sflag:s26] =	ssyncset.done $0x0  }
0x28: {  	[sflag:s26] =	ssyncadd.s32 $0xFFFFF800  }
0x29: {  	_ =	swait.ge [sflag:s26], $0x800  }
0x2a: {  	[sflag:s26] =	ssyncset.done $0x0  }
0x2b: {  	[sflag:s26] =	ssyncadd.s32 $0xFFFFF800  }
0x2c: {  	_ =	swait.ge [sflag:s26], $0x800  }
0x2d: {  	[sflag:s26] =	ssyncset.done $0x0  }
0x2e: {  	[sflag:s26] =	ssyncadd.s32 $0xFFFFF800  }
0x2f: {  	_ =	swait.ge [sflag:s26], $0x800  }
0x30: {  	[sflag:s26] =	ssyncset.done $0x0  }
0x31: {  	[sflag:s26] =	ssyncadd.s32 $0xFFFFF800  }
0x32: {  	_ =	swait.ge [sflag:s28], $0x2800  }
0x33: {  	[sflag:s28] =	ssyncset.done $0x0  }
0x34: {  	p2 =	sle.u32 s6, $0x0;
	[sflag:s28] =	ssyncadd.s32 $0xFFFFD800  }
0x35: {  	s0 =	simm.s32 @!p2 $0x1;
	p1 =	sle.u32 @!p2 s6, $0x2;
	[bflag:$0x0] =	sbarrier.arrive $0xFFFF  }
0x36: {  	s30 =	simm.s32 $0x2;
	p3 =	por p1, p2;
	_ =	swait.ge @!p2 [sflag:s0], $0x4000  }
0x37: {  	p1 =	sle.u32 s6, $0x1;
	s4 =	simm.s32 @!p2 $0x2800;
	[sflag:s0] =	ssyncset.done @!p2 $0x0  }
0x38: {  	s15 =	simm.s32 @!p2 $0x5;
	[sflag:s0] =	ssyncadd.s32 @!p2 $0xFFFFC000;
	s0 =	simm.s32 @!p2 $0x80  }
0x39: {  	[spmem:s3] =	stream.indirect.scatter.add.f32 @!p2 [tilespmem:s4], [sflag:$0x5], $0x80, s7, s0, $0xb8;
	[tilespmem:$0x1E800] =	vst v63  }
0x3a: {  	s19 =	simm.s32 @!p3 $0x2800;
	s20 =	simm.s32 @!p1 $0x2;
	_ =	swait.ge @!p2 [sflag:s15], $0x4000  }
0x3b: {  	s0 =	sshrl.u32 @!p3 s16, $0x3;
	s4 =	simm.s32 @!p3 $0x800;
	[sflag:s15] =	ssyncset.done @!p2 $0x0  }
0x3c: {  	s0 =	sadd.s32 @!p3 s1, s0;
	[sflag:s15] =	ssyncadd.s32 @!p2 $0xFFFFC000;
	s15 =	simm.s32 @!p3 $0x400  }
0x3d: {  	[tilespmem:s19], [sflag:$0x1] =	stream.strided.gather @!p3 [hbm4b:s0+s15], $0x4000, s4, s15, $0x38;
	[tilespmem:$0x1E800] =	vst v63  }
0x3e: {  	p2 =	sle.u32 @!p1 s6, $0x3;
	s4 =	simm.s32 @!p1 $0x5;
	_ =	swait.ge @!p1 [sflag:s20], $0x4000  }
0x3f: {  	s0 =	simm.s32 @!p1 $0x80;
	s15 =	simm.s32 @!p1 $0x6800;
	[sflag:s20] =	ssyncset.done @!p1 $0x0  }
0x40: {  	s19 =	simm.s32 @!p1 $0x80;
	p2 =	por p2, p1;
	[sflag:s20] =	ssyncadd.s32 @!p1 $0xFFFFC000  }
0x41: {  	[spmem:s3] =	stream.indirect.scatter.add.f32 @!p1 [tilespmem:s15], [sflag:$0x5], $0x80, s19, s0, $0xb8;
	[tilespmem:$0x1E800] =	vst v63  }
0x42: {  	s31 =	sadd.s32 $0x10000, s16;
	s20 =	simm.s32 @!p2 $0x400;
	_ =	swait.ge @!p1 [sflag:s4], $0x4000  }
0x43: {  	s0 =	sadd.s32 $0x2000, s2;
	s19 =	simm.s32 $0x0;
	[sflag:s4] =	ssyncset.done @!p1 $0x0  }
0x44: {  	s15 =	smov.u32 s2;
	[sflag:s4] =	ssyncadd.s32 @!p1 $0xFFFFC000;
	s4 =	simm.s32 @!p2 $0x800  }
.LBB2_2:
0x45: {  	s7 =	simm.s32 @!p2 $0x6800  }
0x46: {  	s19 =	sadd.s32 $0x100, s19;
	s9 =	smov.u32 s30;
	s30 =	sadd.s32 $0x2, s30  }
0x47: {  	[tilespmem:s7], [sflag:$0x2] =	stream.strided.gather @!p2 [hbm4b:s15+s20], $0x4000, s4, s20, $0x38;
	[tilespmem:$0x1E800] =	vst v63  }
0x48: {  	p2 =	sge.u32 s9, s6;
	p1 =	sne.s32 s30, $0x50;
	s15 =	smov.u32 s0  }
0x49: {  	s20 =	sadd.s32 $0x1, s9;
	s4 =	simm.s32 @!p2 $0x1;
	s7 =	sadd.s32 @!p2 $0x2, s9  }
0x4a: {  	s8 =	simm.s32 @!p2 $0x2800;
	p3 =	sge.u32 @!p2 s7, s6;
	_ =	swait.ge @!p2 [sflag:s4], $0x4000  }
0x4b: {  	s7 =	simm.s32 @!p2 $0x5;
	p4 =	por p3, p2;
	[sflag:s4] =	ssyncset.done @!p2 $0x0  }
0x4c: {  	s12 =	simm.s32 @!p4 $0x2800;
	[sflag:s4] =	ssyncadd.s32 @!p2 $0xFFFFC000;
	s4 =	simm.s32 @!p2 $0x80  }
0x4d: {  	[spmem:s3] =	stream.indirect.scatter.add.f32 @!p2 [tilespmem:s8], [sflag:$0x5], $0x80, s19, s4, $0xb8;
	[tilespmem:$0x1E800] =	vst v63  }
0x4e: {  	s4 =	sshrl.u32 @!p4 s31, $0x3;
	s8 =	simm.s32 @!p4 $0x800;
	_ =	swait.ge @!p2 [sflag:s7], $0x4000  }
0x4f: {  	p3 =	sge.u32 s20, s6;
	s4 =	sadd.s32 @!p4 s1, s4;
	[sflag:s7] =	ssyncset.done @!p2 $0x0  }
0x50: {  	s20 =	simm.s32 @!p3 $0x2;
	[sflag:s7] =	ssyncadd.s32 @!p2 $0xFFFFC000;
	s7 =	simm.s32 @!p4 $0x400  }
0x51: {  	[tilespmem:s12], [sflag:$0x1] =	stream.strided.gather @!p4 [hbm4b:s4+s7], $0x4000, s8, s7, $0x38;
	[tilespmem:$0x1E800] =	vst v63  }
0x52: {  	s4 =	simm.s32 @!p3 $0x5;
	s7 =	sadd.s32 @!p3 $0x3, s9;
	_ =	swait.ge @!p3 [sflag:s20], $0x4000  }
0x53: {  	s8 =	simm.s32 @!p3 $0x80;
	s9 =	simm.s32 @!p3 $0x6800;
	[sflag:s20] =	ssyncset.done @!p3 $0x0  }
.Ltmp0:
0x54: {  	s12 =	sadd.s32 @!p3 $0x80, s19;
	[sflag:s20] =	ssyncadd.s32 @!p3 $0xFFFFC000;
	(pc) =	sbr.rel @p1 .LBB2_2-.Ltmp0, $4  }
0x55: {  	[spmem:s3] =	stream.indirect.scatter.add.f32 @!p3 [tilespmem:s9], [sflag:$0x5], $0x80, s12, s8, $0xb8;
	[tilespmem:$0x1E800] =	vst v63  }
0x56: {  	s31 =	sadd.s32 $0x10000, s31;
	p2 =	sge.u32 @!p3 s7, s6;
	_ =	swait.ge @!p3 [sflag:s4], $0x4000  }
0x57: {  	s0 =	sadd.s32 $0x2000, s0;
	p2 =	por p2, p3;
	[sflag:s4] =	ssyncset.done @!p3 $0x0  }
0x58: {  	s20 =	simm.s32 @!p2 $0x400;
	[sflag:s4] =	ssyncadd.s32 @!p3 $0xFFFFC000;
	s4 =	simm.s32 @!p2 $0x800  }
0x59: {  	s0 =	simm.s32 @!p2 $0x6800;
	s7 =	simm.s32 @p0 $0x80  }
0x5a: {  	s8 =	simm.s32 @p0 $0x1FC5;
	s9 =	simm.s32 @!p0 $0x80;
	s29 =	sadd.s32 $0x1, s29  }
0x5b: {  	[tilespmem:s0], [sflag:$0x2] =	stream.strided.gather @!p2 [hbm4b:s15+s20], $0x4000, s4, s20, $0x38;
	[tilespmem:$0x1E800] =	vst v63  }
0x5c: {  	s0 =	simm.s32 @p0 $0x8;
	s4 =	simm.s32 @p0 $0x100;
	[bflag:$0x0] =	sbarrier.arrive $0xFFFF  }
0x5d: {  	[hbm:s13@s4], [sflag:s8] =	dma.strided @p0 [spmem:s25@s7], $0x1900, s0, $0x10   }
0x5e: {  	p1 =	sne.s32 s29, s14;
	s0 =	simm.s32 @p0 $0x5;
	s4 =	stileid.u32  }
0x5f: {  	s7 =	simm.s32 @!p0 $0x8;
	s8 =	simm.s32 @!p0 $0x100;
	_ =	swait.ge @p0 [sflag:s0], $0x1900  }
0x60: {  	s4 =	sshll.u32 @!p0 s4, $0x6;
	[sflag:s0] =	ssyncset.done @p0 $0x0;
	s12 =	rddreg [dreg:$0x8]  }
0x61: {  	[sflag:s0] =	ssyncadd.s32 @p0 $0xFFFFE700;
	s0 =	sor.u32 @!p0 $0x1C05, s4;
	s4 =	sshrl.u32 @!p0 s10, $0x3  }
0x62: {  	[hbm:s12@s8], [sflag:s0] =	dma.strided @!p0 [spmem:s4@s9], $0x2800, s7, $0x10   }
.Ltmp1:
0x63: {  	_ = 	snop;
	(pc) =	sbr.rel @p1 .LBB2_1-.Ltmp1, $4  }
0x64: {  	s0 =	simm.s32 @!p0 $0x5  }
0x65: {  	_ =	swait.ge @!p0 [sflag:s0], $0x2800  }
0x66: {  	[sflag:s0] =	ssyncset.done @!p0 $0x0  }
0x67: {  	[sflag:s0] =	ssyncadd.s32 @!p0 $0xFFFFD800  }
0x68: {  	_ =	sfence.sel $0x180000  }
0x69: {  	[bflag:$0x0] =	sbarrier.arrive $0xFFFF  }
0x6a: {  	_ =	strace $0x90000047  }
0x6b: {  	s0 =	stileid.u32;
	[bflag:$0x2] =	sbarrier.arrive $0xFFFF  }
0x6c: {  	p0 =	sne.s32 s0, $0x0;
	s0 =	rddreg [dreg:$0x4]  }
0x6d: {  	s0 =	sadd.s32 @!p0 $0x100000, s0  }
0x6e: {  	[sflag:s0] =	ssyncadd.tile.s32 @!p0 $0x1;
	_ =	shalt  }
.Lfunc_end2:
_tile_overlayer_lowered:
.L_overlay_start_2:
0x6f: {  	(tag) =	ssettag $0x2  }
0x70: {  	s0 =	rddreg [dreg:$0x0];
	s2 =	stileid.u32  }
0x71: {  	s1 =	rddreg [dreg:$0x1];
	p0 =	sne.s32 s2, $0x0  }
0x72: {  	s3 =	rddreg [dreg:$0x2];
	[bflag:$0x3] =	sbarrier.arrive $0xFFFF;
	s2 =	simm.s32 @!p0 $0x1C05  }
0x73: {  	[timem:s3], [sflag:s2] =	dma.local @!p0 [hbm:s0], s1  }
0x74: {  	s0 =	simm.s32 @!p0 $0x5  }
0x75: {  	_ =	swait.ge @!p0 [sflag:s0], s1  }
0x76: {  	s1 =	ssub.s32 @!p0 $0x0, s1;
	[sflag:s0] =	ssyncset.done @!p0 $0x0  }
0x77: {  	[sflag:s0] =	ssyncadd.s32 @!p0 s1  }
0x78: {  	[bflag:$0x3] =	sbarrier.arrive $0xFFFF  }
0x79: {  	_ =	shalt  }

</sc_bundles>
